<compile_context>
chip_gen: v7x
topology: tpu7x:2x2x1
jax: 0.10.2.dev20260603
libtpu: 0.0.44.dev20260713+nightly
codegen_flags: <defaults>
</compile_context>

<pallas_src>
import functools

import jax
import jax.numpy as jnp
from jax import lax
from jax.experimental import pallas as pl
from jax.experimental.pallas import tpu as pltpu
from jax.experimental.pallas import tpu_sc as plsc

_NUM_CORES = 2
_NUM_SUBCORES = 16
_NUM_WORKERS = _NUM_CORES * _NUM_SUBCORES
_BLOCK_ROWS = 8192


def _tc_bulk_copy(k_cache2, v_cache2, *, rows, D):

    def body(kc, vc, ko, vo):
        ko[...] = kc[...]
        vo[...] = vc[...]

    spec = pl.BlockSpec((_BLOCK_ROWS, D), lambda i: (i, 0))
    return pl.pallas_call(
        body,
        grid=(rows // _BLOCK_ROWS,),
        in_specs=[spec, spec],
        out_specs=[spec, spec],
        out_shape=[jax.ShapeDtypeStruct((rows, D), jnp.float32)] * 2,
        compiler_params=pltpu.CompilerParams(
            dimension_semantics=("arbitrary",)),
    )(k_cache2, v_cache2)


def _sc_scatter(pos, k_val2, v_val2, k_ref, v_ref, *, n_slabs, S, Q, D):
    slabs_per = n_slabs // _NUM_WORKERS
    nval = slabs_per * Q
    mesh = plsc.VectorSubcoreMesh(
        core_axis_name="c", subcore_axis_name="s",
        num_cores=_NUM_CORES, num_subcores=_NUM_SUBCORES)

    @functools.partial(
        pl.kernel,
        out_type=(),
        mesh=mesh,
        compiler_params=pltpu.CompilerParams(
            disable_bounds_checks=True,
            disable_semaphore_checks=True),
        scratch_types=[
            pltpu.VMEM((Q,), jnp.int32),
            pltpu.VMEM((nval,), jnp.int32),
            pltpu.VMEM((nval, D), jnp.float32),
            pltpu.VMEM((nval, D), jnp.float32),
            pltpu.SemaphoreType.DMA,
            pltpu.SemaphoreType.DMA,
        ],
    )
    def body(pos_hbm, kval_hbm, vval_hbm, kout_hbm, vout_hbm,
             pos_v, idx_v, kv_v, vv_v, sem_val, sem_sc):
        wid = lax.axis_index("s") * _NUM_CORES + lax.axis_index("c")
        base = wid * slabs_per

        lk = pltpu.make_async_copy(
            kval_hbm.at[pl.ds(base * Q, nval)], kv_v, sem_val)
        lv = pltpu.make_async_copy(
            vval_hbm.at[pl.ds(base * Q, nval)], vv_v, sem_val)
        lk.start()
        lv.start()
        pltpu.sync_copy(pos_hbm, pos_v)

        pos_vec = pos_v[...]
        for j in range(slabs_per):
            idx_v[pl.ds(j * Q, Q)] = pos_vec + (base + j) * S
        lk.wait()
        lv.wait()

        sk = pltpu.make_async_copy(kv_v, kout_hbm.at[idx_v], sem_sc)
        sv = pltpu.make_async_copy(vv_v, vout_hbm.at[idx_v], sem_sc)
        sk.start()
        sv.start()
        sk.wait()
        sv.wait()

    body(pos, k_val2, v_val2, k_ref, v_ref)


def kernel(input_pos, k_val, v_val, k_cache, v_cache):
    B, H, Q, D = k_val.shape
    S = k_cache.shape[2]
    n_slabs = B * H
    rows = n_slabs * S
    pos = input_pos.astype(jnp.int32)

    k_copy, v_copy = _tc_bulk_copy(
        k_cache.reshape(rows, D), v_cache.reshape(rows, D), rows=rows, D=D)
    k_ref = jax.new_ref(k_copy)
    v_ref = jax.new_ref(v_copy)
    _sc_scatter(
        pos, k_val.reshape(n_slabs * Q, D), v_val.reshape(n_slabs * Q, D),
        k_ref, v_ref, n_slabs=n_slabs, S=S, Q=Q, D=D)
    return (k_ref[...].reshape(B, H, S, D), v_ref[...].reshape(B, H, S, D))

# --- scband reference (transcript-rebuilt; emitter-appended) ---
"""Pipeline reference for scband-kvcache-54726473285733 (READ-ONLY COPY).

The authoritative reference and input builder live on the scoring server;
editing this copy changes nothing except your own understanding.
"""

import jax, jax.numpy as jnp
import numpy as np

B, H, S, D = 16, 8, 2048, 128
Q = 16

def setup_inputs(seed: int = 0) -> dict:
    key = jax.random.key(seed)
    k1, k2 = jax.random.split(key)
    input_pos = jnp.arange(Q, dtype=jnp.int64) if jax.config.jax_enable_x64 else jnp.arange(Q, dtype=jnp.int32)
    k_val = jax.random.normal(k1, (B, H, Q, D), dtype=jnp.float32)
    v_val = jax.random.normal(k2, (B, H, Q, D), dtype=jnp.float32)
    k_cache = jnp.zeros((B, H, S, D), dtype=jnp.float32)
    v_cache = jnp.zeros((B, H, S, D), dtype=jnp.float32)
    return {"input_pos": input_pos, "k_val": k_val, "v_val": v_val, "k_cache": k_cache, "v_cache": v_cache}

def reference(input_pos, k_val, v_val, k_cache, v_cache):
    # scatter-overwrite along the sequence axis at positions input_pos
    k_out = k_cache.at[:, :, input_pos].set(k_val)
    v_out = v_cache.at[:, :, input_pos].set(v_val)
    return (k_out, v_out)

if __name__ == "__main__":
    import jax
    _d = setup_inputs()
    print(jax.jit(kernel)(*tuple(_d.values())))

</pallas_src>

<mosaic_0001>
#map = affine_map<(d0, d1) -> (0)>
#map1 = affine_map<(d0, d1) -> (0, 0)>
module attributes {stable_mosaic.version = 14 : i64} {
  func.func @new_body(%arg0: i32, %arg1: i32, %arg2: memref<16xi32, #tpu.memory_space<hbm>>, %arg3: memref<2048x128xf32, #tpu.memory_space<hbm>>, %arg4: memref<2048x128xf32, #tpu.memory_space<hbm>>, %arg5: memref<262144x128xf32, #tpu.memory_space<hbm>>, %arg6: memref<262144x128xf32, #tpu.memory_space<hbm>>, %arg7: memref<262144x128xf32, #tpu.memory_space<hbm>>, %arg8: memref<262144x128xf32, #tpu.memory_space<hbm>>, %arg9: memref<16xi32, #tpu.memory_space<vmem>>, %arg10: memref<64xi32, #tpu.memory_space<vmem>>, %arg11: memref<64x128xf32, #tpu.memory_space<vmem>>, %arg12: memref<64x128xf32, #tpu.memory_space<vmem>>, %arg13: memref<!tpu.dma_semaphore, #tpu.memory_space<semaphore_mem>>, %arg14: memref<!tpu.dma_semaphore, #tpu.memory_space<semaphore_mem>>) attributes {dimension_semantics = [#tpu.dimension_semantics<core_parallel>, #tpu.dimension_semantics<subcore_parallel>], iteration_bounds = array<i64: 2, 16>, scalar_prefetch = 0 : i64, scratch_operands = 6 : i64, tpu.core_type = #tpu.core_type<sc_vector_subcore>, window_params = [{transform_indices = #map}, {transform_indices = #map1}, {transform_indices = #map1}, {transform_indices = #map1}, {transform_indices = #map1}, {transform_indices = #map1}, {transform_indices = #map1}]} {
    %mul3A = arith.constant 2 : i32
    %mul3A_0 = arith.muli %arg1, %mul3A : i32
    %add3A = arith.addi %mul3A_0, %arg0 : i32
    %mul3A_1 = arith.constant 4 : i32
    %mul3A_2 = arith.muli %add3A, %mul3A_1 : i32
    %mul3A_3 = arith.constant 16 : i32
    %mul3A_4 = arith.muli %mul3A_2, %mul3A_3 : i32
    %mul3A_5 = arith.constant 16 : i32
    %mul3A_6 = arith.muli %mul3A_2, %mul3A_5 : i32
    %dma_start3A = arith.constant 0 : i32
    %dma_start3A_7 = tpu.memref_slice %arg3[%mul3A_4, %dma_start3A] : memref<2048x128xf32, #tpu.memory_space<hbm>> -> memref<64x128xf32, #tpu.memory_space<hbm>>
    %dma_start3A_8 = arith.constant 0 : i32
    %dma_start3A_9 = tpu.memref_slice %arg3[%mul3A_4, %dma_start3A_8] : memref<2048x128xf32, #tpu.memory_space<hbm>> -> memref<64x128xf32, #tpu.memory_space<hbm>>
    tpu.enqueue_dma source(%dma_start3A_9 : memref<64x128xf32, #tpu.memory_space<hbm>>) target(%arg11 : memref<64x128xf32, #tpu.memory_space<vmem>>) target_semaphore(%arg13 : memref<!tpu.dma_semaphore, #tpu.memory_space<semaphore_mem>>)
    %dma_start3A_10 = arith.constant 0 : i32
    %dma_start3A_11 = tpu.memref_slice %arg4[%mul3A_6, %dma_start3A_10] : memref<2048x128xf32, #tpu.memory_space<hbm>> -> memref<64x128xf32, #tpu.memory_space<hbm>>
    %dma_start3A_12 = arith.constant 0 : i32
    %dma_start3A_13 = tpu.memref_slice %arg4[%mul3A_6, %dma_start3A_12] : memref<2048x128xf32, #tpu.memory_space<hbm>> -> memref<64x128xf32, #tpu.memory_space<hbm>>
    tpu.enqueue_dma source(%dma_start3A_13 : memref<64x128xf32, #tpu.memory_space<hbm>>) target(%arg12 : memref<64x128xf32, #tpu.memory_space<vmem>>) target_semaphore(%arg13 : memref<!tpu.dma_semaphore, #tpu.memory_space<semaphore_mem>>)
    "tpu.region"() ({
      %run_scoped3A = tpu.sem_alloc : memref<!tpu.dma_semaphore, #tpu.memory_space<semaphore_mem>>
      tpu.enqueue_dma source(%arg2 : memref<16xi32, #tpu.memory_space<hbm>>) target(%arg9 : memref<16xi32, #tpu.memory_space<vmem>>) target_semaphore(%run_scoped3A : memref<!tpu.dma_semaphore, #tpu.memory_space<semaphore_mem>>)
      tpu.wait_dma2 semaphore(%run_scoped3A : memref<!tpu.dma_semaphore, #tpu.memory_space<semaphore_mem>>) src(%arg2 : memref<16xi32, #tpu.memory_space<hbm>>) dst(%arg9 : memref<16xi32, #tpu.memory_space<vmem>>)
      tpu.yield
    }) : () -> ()
    %get3A = arith.constant 0 : index
    %get3A_14 = tpu.vector_load %arg9[%get3A] {strides = array<i32>} : memref<16xi32, #tpu.memory_space<vmem>>, vector<16xi32>,
    %get3A_15 = vector.shape_cast %get3A_14 : vector<16xi32> to vector<16xi32>
    %add3A_16 = arith.constant 0 : i32
    %add3A_17 = arith.addi %mul3A_2, %add3A_16 : i32
    %mul3A_18 = arith.constant 2048 : i32
    %mul3A_19 = arith.muli %add3A_17, %mul3A_18 : i32
    %add3A_20 = vector.broadcast %mul3A_19 : i32 to vector<16xi32>
    %add3A_21 = arith.addi %get3A_15, %add3A_20 : vector<16xi32>
    %swap3A = arith.constant 0 : index
    %swap3A_22 = tpu.vector_load %arg10[%swap3A] {strides = array<i32>} : memref<64xi32, #tpu.memory_space<vmem>>, vector<16xi32>,
    %swap3A_23 = vector.shape_cast %swap3A_22 : vector<16xi32> to vector<16xi32>
    %swap3A_24 = vector.shape_cast %add3A_21 : vector<16xi32> to vector<16xi32>
    tpu.vector_store %arg10[%swap3A], %swap3A_24 {strides = array<i32>} : memref<64xi32, #tpu.memory_space<vmem>>, vector<16xi32>,
    %add3A_25 = arith.constant 1 : i32
    %add3A_26 = arith.addi %mul3A_2, %add3A_25 : i32
    %mul3A_27 = arith.constant 2048 : i32
    %mul3A_28 = arith.muli %add3A_26, %mul3A_27 : i32
    %add3A_29 = vector.broadcast %mul3A_28 : i32 to vector<16xi32>
    %add3A_30 = arith.addi %get3A_15, %add3A_29 : vector<16xi32>
    %swap3A_31 = arith.constant 16 : index
    %swap3A_32 = tpu.vector_load %arg10[%swap3A_31] {strides = array<i32>} : memref<64xi32, #tpu.memory_space<vmem>>, vector<16xi32>,
    %swap3A_33 = vector.shape_cast %swap3A_32 : vector<16xi32> to vector<16xi32>
    %swap3A_34 = vector.shape_cast %add3A_30 : vector<16xi32> to vector<16xi32>
    tpu.vector_store %arg10[%swap3A_31], %swap3A_34 {strides = array<i32>} : memref<64xi32, #tpu.memory_space<vmem>>, vector<16xi32>,
    %add3A_35 = arith.constant 2 : i32
    %add3A_36 = arith.addi %mul3A_2, %add3A_35 : i32
    %mul3A_37 = arith.constant 2048 : i32
    %mul3A_38 = arith.muli %add3A_36, %mul3A_37 : i32
    %add3A_39 = vector.broadcast %mul3A_38 : i32 to vector<16xi32>
    %add3A_40 = arith.addi %get3A_15, %add3A_39 : vector<16xi32>
    %swap3A_41 = arith.constant 32 : index
    %swap3A_42 = tpu.vector_load %arg10[%swap3A_41] {strides = array<i32>} : memref<64xi32, #tpu.memory_space<vmem>>, vector<16xi32>,
    %swap3A_43 = vector.shape_cast %swap3A_42 : vector<16xi32> to vector<16xi32>
    %swap3A_44 = vector.shape_cast %add3A_40 : vector<16xi32> to vector<16xi32>
    tpu.vector_store %arg10[%swap3A_41], %swap3A_44 {strides = array<i32>} : memref<64xi32, #tpu.memory_space<vmem>>, vector<16xi32>,
    %add3A_45 = arith.constant 3 : i32
    %add3A_46 = arith.addi %mul3A_2, %add3A_45 : i32
    %mul3A_47 = arith.constant 2048 : i32
    %mul3A_48 = arith.muli %add3A_46, %mul3A_47 : i32
    %add3A_49 = vector.broadcast %mul3A_48 : i32 to vector<16xi32>
    %add3A_50 = arith.addi %get3A_15, %add3A_49 : vector<16xi32>
    %swap3A_51 = arith.constant 48 : index
    %swap3A_52 = tpu.vector_load %arg10[%swap3A_51] {strides = array<i32>} : memref<64xi32, #tpu.memory_space<vmem>>, vector<16xi32>,
    %swap3A_53 = vector.shape_cast %swap3A_52 : vector<16xi32> to vector<16xi32>
    %swap3A_54 = vector.shape_cast %add3A_50 : vector<16xi32> to vector<16xi32>
    tpu.vector_store %arg10[%swap3A_51], %swap3A_54 {strides = array<i32>} : memref<64xi32, #tpu.memory_space<vmem>>, vector<16xi32>,
    %dma_wait3A = arith.constant 0 : i32
    %dma_wait3A_55 = tpu.memref_slice %arg3[%mul3A_4, %dma_wait3A] : memref<2048x128xf32, #tpu.memory_space<hbm>> -> memref<64x128xf32, #tpu.memory_space<hbm>>
    %dma_wait3A_56 = arith.constant 0 : i32
    %dma_wait3A_57 = tpu.memref_slice %arg3[%mul3A_4, %dma_wait3A_56] : memref<2048x128xf32, #tpu.memory_space<hbm>> -> memref<64x128xf32, #tpu.memory_space<hbm>>
    tpu.wait_dma2 semaphore(%arg13 : memref<!tpu.dma_semaphore, #tpu.memory_space<semaphore_mem>>) src(%dma_wait3A_57 : memref<64x128xf32, #tpu.memory_space<hbm>>) dst(%arg11 : memref<64x128xf32, #tpu.memory_space<vmem>>)
    %dma_wait3A_58 = arith.constant 0 : i32
    %dma_wait3A_59 = tpu.memref_slice %arg4[%mul3A_6, %dma_wait3A_58] : memref<2048x128xf32, #tpu.memory_space<hbm>> -> memref<64x128xf32, #tpu.memory_space<hbm>>
    %dma_wait3A_60 = arith.constant 0 : i32
    %dma_wait3A_61 = tpu.memref_slice %arg4[%mul3A_6, %dma_wait3A_60] : memref<2048x128xf32, #tpu.memory_space<hbm>> -> memref<64x128xf32, #tpu.memory_space<hbm>>
    tpu.wait_dma2 semaphore(%arg13 : memref<!tpu.dma_semaphore, #tpu.memory_space<semaphore_mem>>) src(%dma_wait3A_61 : memref<64x128xf32, #tpu.memory_space<hbm>>) dst(%arg12 : memref<64x128xf32, #tpu.memory_space<vmem>>)
    %dma_start3A_62 = arith.constant 0 : i32
    %dma_start3A_63 = arith.constant 0 : i32
    %dma_start3A_64 = tpu.memref_slice %arg5[%dma_start3A_62, %dma_start3A_63] : memref<262144x128xf32, #tpu.memory_space<hbm>> -> memref<262144x128xf32, #tpu.memory_space<hbm>>
    tpu.enqueue_indirect_dma source(%arg11 : memref<64x128xf32, #tpu.memory_space<vmem>>) target(%dma_start3A_64 : memref<262144x128xf32, #tpu.memory_space<hbm>>) offsets(%arg10 : memref<64xi32, #tpu.memory_space<vmem>>) semaphore(%arg14 : memref<!tpu.dma_semaphore, #tpu.memory_space<semaphore_mem>>)
    %dma_start3A_65 = arith.constant 0 : i32
    %dma_start3A_66 = arith.constant 0 : i32
    %dma_start3A_67 = tpu.memref_slice %arg6[%dma_start3A_65, %dma_start3A_66] : memref<262144x128xf32, #tpu.memory_space<hbm>> -> memref<262144x128xf32, #tpu.memory_space<hbm>>
    tpu.enqueue_indirect_dma source(%arg12 : memref<64x128xf32, #tpu.memory_space<vmem>>) target(%dma_start3A_67 : memref<262144x128xf32, #tpu.memory_space<hbm>>) offsets(%arg10 : memref<64xi32, #tpu.memory_space<vmem>>) semaphore(%arg14 : memref<!tpu.dma_semaphore, #tpu.memory_space<semaphore_mem>>)
    %dma_wait3A_68 = arith.constant 0 : i32
    %dma_wait3A_69 = arith.constant 0 : i32
    %dma_wait3A_70 = tpu.memref_slice %arg5[%dma_wait3A_68, %dma_wait3A_69] : memref<262144x128xf32, #tpu.memory_space<hbm>> -> memref<262144x128xf32, #tpu.memory_space<hbm>>
    tpu.wait_indirect_dma semaphore(%arg14 : memref<!tpu.dma_semaphore, #tpu.memory_space<semaphore_mem>>) src(%arg11 : memref<64x128xf32, #tpu.memory_space<vmem>>) dst(%dma_wait3A_70 : memref<262144x128xf32, #tpu.memory_space<hbm>>)
    %dma_wait3A_71 = arith.constant 0 : i32
    %dma_wait3A_72 = arith.constant 0 : i32
    %dma_wait3A_73 = tpu.memref_slice %arg6[%dma_wait3A_71, %dma_wait3A_72] : memref<262144x128xf32, #tpu.memory_space<hbm>> -> memref<262144x128xf32, #tpu.memory_space<hbm>>
    tpu.wait_indirect_dma semaphore(%arg14 : memref<!tpu.dma_semaphore, #tpu.memory_space<semaphore_mem>>) src(%arg12 : memref<64x128xf32, #tpu.memory_space<vmem>>) dst(%dma_wait3A_73 : memref<262144x128xf32, #tpu.memory_space<hbm>>)
    return
  }
}

module attributes {stable_mosaic.version = 14 : i64} {
  func.func @body(%arg0: i32, %arg1: memref<8192x128xf32, #tpu.memory_space<vmem>>, %arg2: memref<8192x128xf32, #tpu.memory_space<vmem>>, %arg3: memref<8192x128xf32, #tpu.memory_space<vmem>>, %arg4: memref<8192x128xf32, #tpu.memory_space<vmem>>) attributes {dimension_semantics = [#tpu.dimension_semantics<arbitrary>], iteration_bounds = array<i64: 32>, scalar_prefetch = 0 : i64, scratch_operands = 0 : i64, tpu.core_type = #tpu.core_type<tc>, window_params = [{transform_indices = @transform_0, window_bounds = array<i64: 8192, 128>}, {transform_indices = @transform_1, window_bounds = array<i64: 8192, 128>}, {transform_indices = @transform_2, window_bounds = array<i64: 8192, 128>}, {transform_indices = @transform_3, window_bounds = array<i64: 8192, 128>}]} {
    %get3A = arith.constant 0 : index
    %get3A_0 = arith.constant 0 : index
    %get3A_1 = vector.load %arg1[%get3A, %get3A_0] : memref<8192x128xf32, #tpu.memory_space<vmem>>, vector<8192x128xf32>
    %swap3A = arith.constant 0 : index
    %swap3A_2 = arith.constant 0 : index
    %swap3A_3 = vector.load %arg3[%swap3A, %swap3A_2] : memref<8192x128xf32, #tpu.memory_space<vmem>>, vector<8192x128xf32>
    tpu.vector_store %arg3[%swap3A, %swap3A_2], %get3A_1 {strides = array<i32>} : memref<8192x128xf32, #tpu.memory_space<vmem>>, vector<8192x128xf32>,
    %get3A_4 = arith.constant 0 : index
    %get3A_5 = arith.constant 0 : index
    %get3A_6 = vector.load %arg2[%get3A_4, %get3A_5] : memref<8192x128xf32, #tpu.memory_space<vmem>>, vector<8192x128xf32>
    %swap3A_7 = arith.constant 0 : index
    %swap3A_8 = arith.constant 0 : index
    %swap3A_9 = vector.load %arg4[%swap3A_7, %swap3A_8] : memref<8192x128xf32, #tpu.memory_space<vmem>>, vector<8192x128xf32>
    tpu.vector_store %arg4[%swap3A_7, %swap3A_8], %get3A_6 {strides = array<i32>} : memref<8192x128xf32, #tpu.memory_space<vmem>>, vector<8192x128xf32>,
    return
  }
  func.func @transform_0(%arg0: i32) -> (i32, i32) {
    %c0_i32 = arith.constant 0 : i32
    %c0_i32_0 = arith.constant 0 : i32
    return %arg0, %c0_i32 : i32, i32
  }
  func.func @transform_1(%arg0: i32) -> (i32, i32) {
    %c0_i32 = arith.constant 0 : i32
    %c0_i32_0 = arith.constant 0 : i32
    return %arg0, %c0_i32 : i32, i32
  }
  func.func @transform_2(%arg0: i32) -> (i32, i32) {
    %c0_i32 = arith.constant 0 : i32
    %c0_i32_0 = arith.constant 0 : i32
    return %arg0, %c0_i32 : i32, i32
  }
  func.func @transform_3(%arg0: i32) -> (i32, i32) {
    %c0_i32 = arith.constant 0 : i32
    %c0_i32_0 = arith.constant 0 : i32
    return %arg0, %c0_i32 : i32, i32
  }
}

</mosaic_0001>

<sc_bundles>
// kernel: kernel.4.cloned.1.call-start
scs
__scs_entry_jumppad:
0x0: {  	(pc) =	sbr.rel $0x88, $3  }
0x1: {  	(tag) =	ssettag $0x0;
	lr =	simm.s32 $0x1  }
0x2: {  	[smem:$0x3F9C] =	sst lr;
	_ =	strace $0xD0000000  }
0x3: {  	_ = 	snop  }
0x4: {  	_ = 	snop  }
0x5: {  	_ = 	snop  }
0x6: {  	_ = 	snop  }
0x7: {  	_ = 	snop  }
__scs_overlays_trampoline_lowered:
0x8: {  	[smem:$0x3FAB] =	sst s0  }
0x9: {  	[smem:$0x3FAC] =	sst s1  }
0xa: {  	[smem:$0x3FAD] =	sst s2  }
0xb: {  	[smem:$0x3FAE] =	sst s3  }
0xc: {  	[smem:$0x3FAF] =	sst s4  }
0xd: {  	[smem:$0x3FB0] =	sst s5  }
0xe: {  	[smem:$0x3FB1] =	sst s6  }
0xf: {  	[smem:$0x3FB2] =	sst s7  }
0x10: {  	[smem:$0x3FB3] =	sst s8  }
0x11: {  	[smem:$0x3FB4] =	sst s9;
	s0 =	simm.s32 @!p0 $0x0  }
0x12: {  	s1 =	sld [smem:$0x3F9A];
	s0 =	simm.s32 @p0 $0x1  }
0x13: {  	[smem:$0x3FB5] =	sst s0;
	s0 =	simm.s32 @!p1 $0x0  }
0x14: {  	s2 =	sld [smem:$0x3F99];
	s0 =	simm.s32 @p1 $0x1  }
0x15: {  	[smem:$0x3FB6] =	sst s0;
	s0 =	simm.s32 @!p2 $0x0  }
0x16: {  	s3 =	sld [smem:$0x3FDB];
	s0 =	simm.s32 @p2 $0x1  }
0x17: {  	s4 =	simm.s32 $0x1BF5;
	[smem:$0x3FB8] =	sst s0  }
0x18: {  	s0 =	sld [smem:$0x3F9B];
	_ =	swait.ge [sflag:s4], $0x0  }
0x19: {  	s7 =	sld [smem:$0x3F9C]  }
0x1a: {  	s8 =	sadd.s32 $0xFFFFE003, lr  }
0x1b: {  	s9 =	sadd.s32 $0xFFFFFEF7, lr;
	s5 =	simm.s32 $0xFFFFFFFF;
	p2 =	slt.u32 s8, $0xFFFFF086  }
0x1c: {  	p1 =	slt.u32 s9, $0xF7A;
	s5 =	simm.s32 @!p2 $0x0  }
0x1d: {  	s5 =	simm.s32 @p1 $0x1;
	p0 =	seq.s32 s7, s2  }
0x1e: {  	s7 =	smul.u32 @!p0 $0xF7A, s2;
	p2 =	seq.s32 @!p0 s5, $0x0  }
0x1f: {  	s9 =	smul.u32 $0xF7A, s1;
	s8 =	simm.s32 @!p0 $0x1BF5;
	p2 =	por !p2, p0  }
0x20: {  	[sflag:s8] =	ssyncset.s32 @!p0 $0xFFFFF086;
	s6 =	sadd.s32 @!p0 s3, s7;
	s7 =	simm.s32 @!p0 $0x108  }
0x21: {  	s3 =	sadd.s32 s3, s9;
	s6 =	sadd.s32 @!p0 $0x88, s6;
	s7 =	simm.s32 @p2 $0x1082  }
0x22: {  	[simem:s7], [sflag:s8] =	dma.local @!p0 [hbm:s6], $0xF7A  }
0x23: {  	s9 =	sor.u32 $0xD0000000, s2;
	s6 =	simm.s32 $0x108;
	_ =	swait.ge @!p0 [sflag:s8], $0x0  }
0x24: {  	s3 =	sadd.s32 $0x88, s3;
	s6 =	simm.s32 @!p1 $0x1082;
	[sflag:s4] =	ssyncset.s32 $0xFFFFF086  }
0x25: {  	[simem:s6], [sflag:s4] =	dma.local [hbm:s3], $0xF7A  }
0x26: {  	[smem:$0x3F9C] =	sst s1;
	(tag) =	ssettag s2;
	_ =	strace s9  }
0x27: {  	s1 =	sld [smem:$0x3FAC]  }
0x28: {  	s2 =	sld [smem:$0x3FAD]  }
0x29: {  	s4 =	sld [smem:$0x3FAF]  }
0x2a: {  	p0 =	seq.s32 s5, $0x0;
	s5 =	sld [smem:$0x3FB0]  }
0x2b: {  	s6 =	sld [smem:$0x3FB1]  }
0x2c: {  	s7 =	sld [smem:$0x3FB2]  }
0x2d: {  	s3 =	simm.s32 $0x108;
	s8 =	sld [smem:$0x3FB3]  }
0x2e: {  	s3 =	simm.s32 @!p0 $0x1082;
	s9 =	sld [smem:$0x3FB4]  }
0x2f: {  	lr =	sadd.s32 s0, s3;
	s0 =	sld [smem:$0x3FAB]  }
0x30: {  	s3 =	sld [smem:$0x3FAE]  }
0x31: {  	[smem:$0x3FB7] =	sst s10  }
0x32: {  	s10 =	sld [smem:$0x3FB5];
	_ =	sdelay $0x3  }
0x33: {  	p0 =	seq.s32 s10, $0x1;
	s10 =	sld [smem:$0x3FB7];
	_ =	sdelay $0x3  }
0x34: {  	[smem:$0x3FB7] =	sst s10  }
0x35: {  	s10 =	sld [smem:$0x3FB6];
	_ =	sdelay $0x3  }
0x36: {  	p1 =	seq.s32 s10, $0x1;
	s10 =	sld [smem:$0x3FB7];
	_ =	sdelay $0x3  }
0x37: {  	[smem:$0x3FB7] =	sst s10  }
0x38: {  	s10 =	sld [smem:$0x3FB8]  }
0x39: {  	_ = 	snop;
	(pc) =	sbr.ind lr, $3  }
0x3a: {  	_ = 	snop  }
0x3b: {  	_ = 	snop  }
0x3c: {  	p2 =	seq.s32 s10, $0x1;
	s10 =	sld [smem:$0x3FB7]  }
0x3d: {  	_ =	shalt  }
0x3e: {  	_ =	shalt  }
0x3f: {  	_ =	shalt  }
0x40: {  	_ =	shalt  }
0x41: {  	_ =	shalt  }
0x42: {  	_ =	shalt  }
0x43: {  	_ =	shalt  }
0x44: {  	_ =	shalt  }
0x45: {  	_ =	shalt  }
0x46: {  	_ =	shalt  }
0x47: {  	_ =	shalt  }
0x48: {  	_ =	shalt  }
0x49: {  	_ =	shalt  }
0x4a: {  	_ =	shalt  }
0x4b: {  	_ =	shalt  }
0x4c: {  	_ =	shalt  }
0x4d: {  	_ =	shalt  }
0x4e: {  	_ =	shalt  }
0x4f: {  	_ =	shalt  }
0x50: {  	_ =	shalt  }
0x51: {  	_ =	shalt  }
0x52: {  	_ =	shalt  }
0x53: {  	_ =	shalt  }
0x54: {  	_ =	shalt  }
0x55: {  	_ =	shalt  }
0x56: {  	_ =	shalt  }
0x57: {  	_ =	shalt  }
0x58: {  	_ =	shalt  }
0x59: {  	_ =	shalt  }
0x5a: {  	_ =	shalt  }
0x5b: {  	_ =	shalt  }
0x5c: {  	_ =	shalt  }
0x5d: {  	_ =	shalt  }
0x5e: {  	_ =	shalt  }
0x5f: {  	_ =	shalt  }
0x60: {  	_ =	shalt  }
0x61: {  	_ =	shalt  }
0x62: {  	_ =	shalt  }
0x63: {  	_ =	shalt  }
0x64: {  	_ =	shalt  }
0x65: {  	_ =	shalt  }
0x66: {  	_ =	shalt  }
0x67: {  	_ =	shalt  }
0x68: {  	_ =	shalt  }
0x69: {  	_ =	shalt  }
0x6a: {  	_ =	shalt  }
0x6b: {  	_ =	shalt  }
0x6c: {  	_ =	shalt  }
0x6d: {  	_ =	shalt  }
0x6e: {  	_ =	shalt  }
0x6f: {  	_ =	shalt  }
0x70: {  	_ =	shalt  }
0x71: {  	_ =	shalt  }
0x72: {  	_ =	shalt  }
0x73: {  	_ =	shalt  }
0x74: {  	_ =	shalt  }
0x75: {  	_ =	shalt  }
0x76: {  	_ =	shalt  }
0x77: {  	_ =	shalt  }
0x78: {  	_ =	shalt  }
0x79: {  	_ =	shalt  }
0x7a: {  	_ =	shalt  }
0x7b: {  	_ =	shalt  }
0x7c: {  	_ =	shalt  }
0x7d: {  	_ =	shalt  }
0x7e: {  	_ =	shalt  }
0x7f: {  	_ =	shalt  }
0x80: {  	_ =	shalt  }
0x81: {  	_ =	shalt  }
0x82: {  	_ =	shalt  }
0x83: {  	_ =	shalt  }
0x84: {  	_ =	shalt  }
0x85: {  	_ =	shalt  }
0x86: {  	_ =	shalt  }
0x87: {  	_ =	shalt  }
.Lfunc_end0:
.L_simem_size_0:
called_computation_lowered:
.L_overlay_start_0:
0x88: {  	s2 =	sld [smem:$0x3FD9]  }
0x89: {  	s3 =	sld [smem:$0x3FFE];
	_ =	sdelay $0x1  }
0x8a: {  	s1 =	srdreg.scid  }
0x8b: {  	s0 =	sand.u32 $0x1, s1  }
0x8c: {  	s15 =	sshll.u32 s0, $0xA;
	s2 =	sadd.s32 s3, s2  }
0x8d: {  	s2 =	sadd.s32 s2, s15  }
0x8e: {  	[smem:$0x3FC3] =	sst s2  }
0x8f: {  	_ = 	snop  }
0x90: {  	s2 =	sld [smem:$0x3FD0]  }
0x91: {  	s16 =	sld [smem:$0x3FC9]  }
0x92: {  	s4 =	sld [smem:$0x3FC8]  }
0x93: {  	s6 =	simm.s32 $0xA;
	s7 =	simm.s32 $0x10;
	s5 =	sld [smem:$0x3FC7]  }
0x94: {  	[smem:s7], [sflag:s6] =	dma.local [hbm:s2], $0x1  }
0x95: {  	_ =	swait.eq [sflag:s6], $0x1  }
0x96: {  	[sflag:s6] =	ssyncset.done $0x0  }
0x97: {  	s17 =	sld [smem:$0x10];
	[sflag:s6] =	ssyncadd.s32 $0xFFFFFFFF  }
0x98: {  	s18 =	sld [smem:$0x11];
	(tm) =	ssettm $0x1  }
0x99: {  	s19 =	sld [smem:$0x3FFB];
	_ =	sdelay $0x3  }
0x9a: {  	_ =	strace s19  }
0x9b: {  	s7 =	sld [smem:$0x3FFC];
	_ =	sdelay $0x3  }
0x9c: {  	_ =	strace s7  }
0x9d: {  	s7 =	sld [smem:$0x3FFD];
	_ =	sdelay $0x3  }
0x9e: {  	_ =	strace s7  }
0x9f: {  	_ =	strace $0x8FFFFFFF  }
0xa0: {  	s20 =	sld [smem:$0x3FDB];
	_ =	sdelay $0x1  }
0xa1: {  	s8 =	simm.s32 $_scs_section_size  }
0xa2: {  	s9 =	simm.s32 $_size__tile_overlayer_lowered;
	s10 =	simm.s32 $_tile_overlayer_lowered  }
0xa3: {  	s23 =	simm.s32 $0x1BFF;
	s22 =	sshll.u32 s10, $0x1;
	s7 =	sadd.s32 s8, s20  }
0xa4: {  	s11 =	simm.s32 $0x0;
	s21 =	sshll.u32 s9, $0x1;
	s9 =	sadd.s32 s22, s7  }
0xa5: {  	[timem:s11], [sflag:s23] =	dma.local [hbm:s9], s21  }
0xa6: {  	_ =	swait.ge [sflag:s23], s21  }
0xa7: {  	s8 =	ssub.s32 $0x0, s21;
	[sflag:s23] =	ssyncset.done $0x0  }
0xa8: {  	[sflag:s23] =	ssyncadd.s32 s8;
	_ =	sdelay $0x1  }
0xa9: {  	s24 =	simm.s32 $0x1B8B  }
0xaa: {  	_ =	swait.ge [sflag:s24], $0x1  }
0xab: {  	[sflag:s24] =	ssyncset.done $0x0  }
0xac: {  	s25 =	simm.s32 $0x1B8E;
	[sflag:s24] =	ssyncadd.s32 $0xFFFFFFFF  }
0xad: {  	s26 =	simm.s32 $execute0_lowered;
	[smem:$0x3FD2] =	sst s25  }
0xae: {  	s8 =	sshll.u32 s26, $0x1;
	_ =	strace $0x80000046;
	[dreg:$0x1] =	wrdreg $0xFFFFFFFF  }
0xaf: {  	s28 =	simm.s32 $_size_execute0_lowered;
	s7 =	sadd.s32 s7, s8;
	[dreg:$0x0] =	wrdreg $0x0  }
0xb0: {  	s8 =	sshll.u32 s28, $0x1;
	[dreg:$0x2] =	wrdreg s7  }
0xb1: {  	[dreg:$0x3] =	wrdreg s8  }
0xb2: {  	[dreg:$0x4] =	wrdreg $0xC0  }
0xb3: {  	_ =	task [dreg:s11], $0x5FFFF  }
0xb4: {  	[dreg:$0x1] =	wrdreg $0xFFFFFFFF  }
0xb5: {  	[dreg:$0x0] =	wrdreg $0x60  }
0xb6: {  	[dreg:$0x2] =	wrdreg s16  }
0xb7: {  	[dreg:$0x3] =	wrdreg s4  }
0xb8: {  	[dreg:$0x4] =	wrdreg s5  }
0xb9: {  	[dreg:$0x5] =	wrdreg s17  }
0xba: {  	[dreg:$0x6] =	wrdreg s18  }
0xbb: {  	[dreg:$0x7] =	wrdreg $0x9  }
0xbc: {  	_ =	task.clear_ibuf [dreg:s11], $0x8FFFF;
	_ =	strace $0x90000046  }
0xbd: {  	s29 =	simm.s32 $0x9;
	_ =	strace $0x80000048  }
0xbe: {  	_ =	swait.ge [sflag:s29], $0x1  }
0xbf: {  	[sflag:s29] =	ssyncadd.s32 $0xFFFFFFFF  }
0xc0: {  	_ =	strace $0x90000048  }
0xc1: {  	_ =	sfence  }
0xc2: {  	s30 =	sld [smem:$0x0];
	_ =	sdelay $0x2  }
0xc3: {  	s31 =	sshll.u32 s1, $0xD;
	s1 =	sshrl.u32 s1, $0x2  }
0xc4: {  	s3 =	sand.u32 $0x4000, s31;
	s1 =	sadd.s32 s1, s30  }
0xc5: {  	s0 =	sor.u32 s3, s0;
	s1 =	sshll.u32 s1, $0x11  }
0xc6: {  	s0 =	sor.u32 s1, s0  }
0xc7: {  	s0 =	sadd.s32 $0x8F2B, s0  }
0xc8: {  	[sflag:s0] =	ssyncadd.remote.s32 $0x1  }
0xc9: {  	_ =	sfence.sel $0xFFFF  }
0xca: {  	[dreg:$0x0] =	wrdreg $0xFFFFFFFF;
	(pc) =	sbr.abs _section_cstart, $3  }
0xcb: {  	[dreg:$0x1] =	wrdreg $0xFFFFFFFF  }
0xcc: {  	_ =	task.clear_ibuf [dreg:s11], $0x2FFFF;
	_ =	strace $0x9FFFFFFF  }
0xcd: {  	(tm) =	ssettm $0x7FFFFFFF  }
tec
execute0_lowered:
.L_overlay_start_1:
0x0: {  	(tag) =	ssettag $0x1  }
0x1: {  	s2 =	rddreg [dreg:$0x0]  }
0x2: {  	s6 =	rddreg [dreg:$0x1]  }
0x3: {  	s8 =	rddreg [dreg:$0x2]  }
0x4: {  	s3 =	rddreg [dreg:$0x3]  }
0x5: {  	s1 =	srdreg.scid;
	s0 =	stileid.u32  }
0x6: {  	s4 =	rddreg [dreg:$0x4];
	s12 =	sand.u32 $0x1, s1;
	s7 =	sshll.u32 s0, $0x1  }
0x7: {  	s5 =	simm.s32 $0x0;
	s1 =	rddreg [dreg:$0x5];
	s11 =	sor.u32 s12, s7  }
0x8: {  	[smem:$0x7FF] =	sst s5;
	s9 =	sshll.u32 s11, $0xA  }
0x9: {  	_ =	strace $0x80000047;
	s7 =	simm.s32 $0x100;
	s6 =	sadd.s32 s6, s9  }
0xa: {  	[tilespmem:s7], [sflag:$0x1] =	stream.linear.gather [hbm4b:s6+s5], $0x2000, $0x38;
	[tilespmem:$0x4100] =	vst v63  }
0xb: {  	s8 =	sadd.s32 s8, s9;
	s9 =	simm.s32 $0x2100  }
0xc: {  	[tilespmem:s9], [sflag:$0x1] =	stream.linear.gather [hbm4b:s8+s5], $0x2000, $0x38;
	[tilespmem:$0x4100] =	vst v63  }
0xd: {  	s10 =	simm.s32 $0x3  }
0xe: {  	[tilespmem:s5], [sflag:$0x3] =	stream.linear.gather [hbm4b:s2+s5], $0x80, $0x38;
	[tilespmem:$0x4100] =	vst v63  }
0xf: {  	_ =	swait.ge [sflag:s10], $0x80  }
0x10: {  	[sflag:s10] =	ssyncset.done $0x0  }
0x11: {  	[sflag:s10] =	ssyncadd.s32 $0xFFFFFF80  }
0x12: {  	v4 =	vld [tilespmem:$0x0];
	_ =	sdelay $0x2  }
0x13: {  	s11 =	sshll.u32 s11, $0xD  }
0x14: {  	v0 =	vmov s11;
	s13 =	sor.u32 $0x1000, s11  }
0x15: {  	s30 =	sor.u32 $0x1800, s11;
	v1 =	vmov s13;
	v3 =	vadd.s32 v0, v4  }
0x16: {  	s11 =	sor.u32 $0x800, s11;
	v2 =	vmov s30;
	v5 =	vadd.s32 v1, v4;
	[tilespmem:$0x80] =	vst v3  }
0x17: {  	v6 =	vadd.s32 v2, v4;
	v3 =	vmov s11;
	[tilespmem:$0xA0] =	vst v5  }
0x18: {  	[tilespmem:$0xB0] =	vst v6;
	v4 =	vadd.s32 v3, v4  }
0x19: {  	s11 =	simm.s32 $0x1;
	[tilespmem:$0x90] =	vst v4  }
0x1a: {  	_ =	swait.ge [sflag:s11], $0x2000  }
0x1b: {  	s12 =	ssub.s32 $0x2, s12;
	[sflag:s11] =	ssyncset.done $0x0  }
0x1c: {  	s31 =	sshrl.u32 s12, $0x1;
	[sflag:s11] =	ssyncadd.s32 $0xFFFFE000  }
0x1d: {  	s13 =	ssub.s32 s12, s31;
	_ =	swait.ge [sflag:s11], $0x2000  }
0x1e: {  	s14 =	simm.s32 $0x80;
	s15 =	smax.u32 s13, $0x1;
	[sflag:s11] =	ssyncset.done $0x0  }
0x1f: {  	s12 =	simm.s32 $0x40;
	p0 =	sne.s32 s15, $0x1;
	[sflag:s11] =	ssyncadd.s32 $0xFFFFE000  }
0x20: {  	[hbm4b:s3+s12] =	stream.indirect.scatter [tilespmem:s7], [sflag:$0x2], $0x80, s14, s12, $0xb8;
	[tilespmem:$0x4100] =	vst v63  }
.Ltmp0:
0x21: {  	_ = 	snop;
	(pc) =	sbr.rel @!p0 .LBB2_2-.Ltmp0, $4  }
0x22: {  	s13 =	simm.s32 $0x2  }
0x23: {  	[hbm4b:s4+s12] =	stream.indirect.scatter [tilespmem:s9], [sflag:$0x2], $0x80, s14, s12, $0xb8;
	[tilespmem:$0x4100] =	vst v63  }
0x24: {  	_ =	swait.ge [sflag:s13], $0x2000  }
0x25: {  	s15 =	sadd.s32 $0xFFFFFFFF, s15;
	[sflag:s13] =	ssyncset.done $0x0  }
.LBB2_1:
0x26: {  	p0 =	sne.s32 s15, $0x1;
	s15 =	sadd.s32 $0xFFFFFFFF, s15;
	[sflag:s13] =	ssyncadd.s32 $0xFFFFE000  }
0x27: {  	_ =	swait.ge [sflag:s13], $0x2000  }
0x28: {  	[sflag:s13] =	ssyncset.done $0x0  }
0x29: {  	[sflag:s13] =	ssyncadd.s32 $0xFFFFE000  }
0x2a: {  	[tilespmem:s7], [sflag:$0x1] =	stream.linear.gather [hbm4b:s6+s5], $0x2000, $0x38;
	[tilespmem:$0x4100] =	vst v63  }
0x2b: {  	_ = 	snop  }
0x2c: {  	[tilespmem:s9], [sflag:$0x1] =	stream.linear.gather [hbm4b:s8+s5], $0x2000, $0x38;
	[tilespmem:$0x4100] =	vst v63  }
0x2d: {  	_ = 	snop  }
0x2e: {  	[tilespmem:s5], [sflag:$0x3] =	stream.linear.gather [hbm4b:s2+s5], $0x80, $0x38;
	[tilespmem:$0x4100] =	vst v63  }
0x2f: {  	_ =	swait.ge [sflag:s10], $0x80  }
0x30: {  	[sflag:s10] =	ssyncset.done $0x0  }
0x31: {  	[sflag:s10] =	ssyncadd.s32 $0xFFFFFF80  }
0x32: {  	v4 =	vld [tilespmem:$0x0];
	_ =	sdelay $0x4  }
0x33: {  	v5 =	vadd.s32 v0, v4;
	v6 =	vadd.s32 v3, v4;
	v7 =	vadd.s32 v1, v4  }
0x34: {  	v4 =	vadd.s32 v2, v4;
	[tilespmem:$0x80] =	vst v5  }
0x35: {  	[tilespmem:$0xA0] =	vst v7  }
0x36: {  	[tilespmem:$0xB0] =	vst v4  }
0x37: {  	[tilespmem:$0x90] =	vst v6  }
0x38: {  	_ =	swait.ge [sflag:s11], $0x2000  }
0x39: {  	[sflag:s11] =	ssyncset.done $0x0  }
0x3a: {  	[sflag:s11] =	ssyncadd.s32 $0xFFFFE000  }
0x3b: {  	_ =	swait.ge [sflag:s11], $0x2000  }
0x3c: {  	[sflag:s11] =	ssyncset.done $0x0  }
0x3d: {  	[sflag:s11] =	ssyncadd.s32 $0xFFFFE000  }
0x3e: {  	[hbm4b:s3+s12] =	stream.indirect.scatter [tilespmem:s7], [sflag:$0x2], $0x80, s14, s12, $0xb8;
	[tilespmem:$0x4100] =	vst v63  }
.Ltmp1:
0x3f: {  	_ = 	snop;
	(pc) =	sbr.rel @p0 .LBB2_1-.Ltmp1, $4  }
0x40: {  	_ = 	snop  }
0x41: {  	[hbm4b:s4+s12] =	stream.indirect.scatter [tilespmem:s9], [sflag:$0x2], $0x80, s14, s12, $0xb8;
	[tilespmem:$0x4100] =	vst v63  }
0x42: {  	_ =	swait.ge [sflag:s13], $0x2000  }
0x43: {  	[sflag:s13] =	ssyncset.done $0x0  }
.LBB2_2:
0x44: {  	[sflag:s13] =	ssyncadd.s32 $0xFFFFE000  }
0x45: {  	_ =	swait.ge [sflag:s13], $0x2000  }
0x46: {  	[sflag:s13] =	ssyncset.done $0x0  }
0x47: {  	[sflag:s13] =	ssyncadd.s32 $0xFFFFE000  }
0x48: {  	_ =	sfence.sel $0x180000  }
0x49: {  	[bflag:$0x0] =	sbarrier.arrive $0xFFFF  }
0x4a: {  	p0 =	sne.s32 s0, $0x0;
	_ =	strace $0x90000047  }
0x4b: {  	s0 =	sadd.s32 @!p0 $0x100000, s1;
	[bflag:$0x2] =	sbarrier.arrive $0xFFFF  }
0x4c: {  	[sflag:s0] =	ssyncadd.tile.s32 @!p0 $0x1;
	_ =	shalt  }
.Lfunc_end2:
_tile_overlayer_lowered:
.L_overlay_start_2:
0x4d: {  	(tag) =	ssettag $0x2  }
0x4e: {  	s0 =	rddreg [dreg:$0x0];
	s2 =	stileid.u32  }
0x4f: {  	s1 =	rddreg [dreg:$0x1];
	p0 =	sne.s32 s2, $0x0  }
0x50: {  	s3 =	rddreg [dreg:$0x2];
	[bflag:$0x3] =	sbarrier.arrive $0xFFFF;
	s2 =	simm.s32 @!p0 $0x1C03  }
0x51: {  	[timem:s3], [sflag:s2] =	dma.local @!p0 [hbm:s0], s1  }
0x52: {  	s0 =	simm.s32 @!p0 $0x3  }
0x53: {  	_ =	swait.ge @!p0 [sflag:s0], s1  }
0x54: {  	s1 =	ssub.s32 @!p0 $0x0, s1;
	[sflag:s0] =	ssyncset.done @!p0 $0x0  }
0x55: {  	[sflag:s0] =	ssyncadd.s32 @!p0 s1  }
0x56: {  	[bflag:$0x3] =	sbarrier.arrive $0xFFFF  }
0x57: {  	_ =	shalt  }

</sc_bundles>
